<compile_context>
chip_gen: v7x
topology: tpu7x:2x2x1
jax: 0.10.2.dev20260603
libtpu: 0.0.44.dev20260713+nightly
codegen_flags: <defaults>
</compile_context>

<pallas_src>
import functools
import math

import jax
import jax.numpy as jnp
from jax import lax
from jax.experimental import pallas as pl
from jax.experimental.pallas import tpu as pltpu
from jax.experimental.pallas import tpu_sc as plsc

D_MODEL = 64
SCALE = math.sqrt(D_MODEL)

V = 1000000
NC = 2
NS = 16
NW = NC * NS

B_TOTAL = 4096 * 200
B_PER_W = B_TOTAL // NW
CH = 128
NJ = B_PER_W // CH


def _emb_kernel(x_hbm, tab_hbm, out_hbm,
                x_v, g0, g1, s0, s1, gsem0, gsem1, osem0, osem1):
    wid = lax.axis_index("s") * NC + lax.axis_index("c")
    base = wid * B_PER_W
    pltpu.sync_copy(x_hbm.at[wid], x_v)

    gbufs, sbufs = (g0, g1), (s0, s1)
    gsems, osems = (gsem0, gsem1), (osem0, osem1)

    def start_gather(j, b):
        pltpu.async_copy(tab_hbm.at[x_v.at[j]], gbufs[b], gsems[b])

    def wait_gather(b):
        pltpu.make_async_copy(tab_hbm.at[x_v.at[0]], gbufs[b],
                              gsems[b]).wait()

    def scale(b):
        @plsc.parallel_loop(0, CH, unroll=1)
        def row(l):
            for fb in range(D_MODEL // 16):
                v = gbufs[b][l, pl.ds(16 * fb, 16)]
                sbufs[b][l, pl.ds(16 * fb, 16)] = v * SCALE

    def start_store(j, b):
        pltpu.async_copy(sbufs[b], out_hbm.at[pl.ds(base + j * CH, CH)],
                         osems[b])

    def wait_store(b):
        pltpu.make_async_copy(sbufs[b], out_hbm.at[pl.ds(base, CH)],
                              osems[b]).wait()

    start_gather(0, 0)
    start_gather(1, 1)
    for b in range(2):
        wait_gather(b)
        scale(b)
        start_store(b, b)
        start_gather(b + 2, b)

    def body(i, c):
        for b in range(2):
            j = 2 * i + b
            wait_gather(b)
            wait_store(b)
            scale(b)
            start_store(j, b)

            @pl.when(j + 2 < NJ)
            def _():
                start_gather(j + 2, b)
        return c

    lax.fori_loop(1, NJ // 2, body, 0)
    wait_store(0)
    wait_store(1)


@jax.jit
def _embedding(xw, tabp):
    mesh = plsc.VectorSubcoreMesh(core_axis_name="c", subcore_axis_name="s")
    kfn = functools.partial(
        pl.kernel,
        mesh=mesh,
        out_type=jax.ShapeDtypeStruct((B_TOTAL, D_MODEL), jnp.float32),
        scratch_types=[
            pltpu.VMEM((NJ, CH), jnp.int32),
            pltpu.VMEM((CH, 128), jnp.float32),
            pltpu.VMEM((CH, 128), jnp.float32),
            pltpu.VMEM((CH, D_MODEL), jnp.float32),
            pltpu.VMEM((CH, D_MODEL), jnp.float32),
            pltpu.SemaphoreType.DMA,
            pltpu.SemaphoreType.DMA,
            pltpu.SemaphoreType.DMA,
            pltpu.SemaphoreType.DMA,
        ],
        compiler_params=pltpu.CompilerParams(
            use_tc_tiling_on_sc=True, needs_layout_passes=False
        ),
    )(_emb_kernel)
    return kfn(xw, tabp)


def kernel(x, table):
    xw = x.astype(jnp.int32).reshape(NW, NJ, CH)
    tabp = jnp.pad(table, ((0, 0), (0, D_MODEL)))
    out = _embedding(xw, tabp)
    return out.reshape(x.shape[0], x.shape[1], D_MODEL)

# --- scband reference (transcript-rebuilt; emitter-appended) ---
"""Pipeline reference for scband-input-embedding-6004364280501 (READ-ONLY COPY).

The authoritative reference and input builder live on the scoring server;
editing this copy changes nothing except your own understanding.
"""

import jax, jax.numpy as jnp
import numpy as np
import math

D_MODEL = 64
VOCAB_SIZE = 1000000

def setup_inputs(seed: int = 0) -> dict:
    key = jax.random.key(seed)
    k1, k2 = jax.random.split(key)
    x = jax.random.randint(k1, (4096, 200), 0, VOCAB_SIZE, dtype=jnp.int64) if jax.config.jax_enable_x64 else jax.random.randint(k1, (4096, 200), 0, VOCAB_SIZE, dtype=jnp.int32)
    table = jax.random.normal(k2, (VOCAB_SIZE, D_MODEL), dtype=jnp.float32)
    return {"x": x, "table": table}

def reference(x, table):
    # nn.Embedding lookup followed by scaling by sqrt(d_model)
    emb = jnp.take(table, x, axis=0)
    return emb * math.sqrt(D_MODEL)

if __name__ == "__main__":
    import jax
    _d = setup_inputs()
    print(jax.jit(kernel)(*tuple(_d.values())))

</pallas_src>

<mosaic_0001>
#map = affine_map<(d0, d1) -> (0, 0, 0)>
#map1 = affine_map<(d0, d1) -> (0, 0)>
module attributes {stable_mosaic.version = 14 : i64} {
  func.func @_emb_kernel(%arg0: i32, %arg1: i32, %arg2: memref<32x200x128xi32, #tpu.memory_space<hbm>>, %arg3: memref<1000000x128xf32, #tpu.memory_space<hbm>>, %arg4: memref<819200x64xf32, #tpu.memory_space<hbm>>, %arg5: memref<200x128xi32, #tpu.memory_space<vmem>>, %arg6: memref<128x128xf32, #tpu.memory_space<vmem>>, %arg7: memref<128x128xf32, #tpu.memory_space<vmem>>, %arg8: memref<128x64xf32, #tpu.memory_space<vmem>>, %arg9: memref<128x64xf32, #tpu.memory_space<vmem>>, %arg10: memref<!tpu.dma_semaphore, #tpu.memory_space<semaphore_mem>>, %arg11: memref<!tpu.dma_semaphore, #tpu.memory_space<semaphore_mem>>, %arg12: memref<!tpu.dma_semaphore, #tpu.memory_space<semaphore_mem>>, %arg13: memref<!tpu.dma_semaphore, #tpu.memory_space<semaphore_mem>>) attributes {dimension_semantics = [#tpu.dimension_semantics<core_parallel>, #tpu.dimension_semantics<subcore_parallel>], iteration_bounds = array<i64: 2, 16>, scalar_prefetch = 0 : i64, scratch_operands = 9 : i64, tpu.core_type = #tpu.core_type<sc_vector_subcore>, window_params = [{transform_indices = #map}, {transform_indices = #map1}, {transform_indices = #map1}]} {
    %mul3A = arith.constant 2 : i32
    %mul3A_0 = arith.muli %arg1, %mul3A : i32
    %add3A = arith.addi %mul3A_0, %arg0 : i32
    %mul3A_1 = arith.constant 25600 : i32
    %mul3A_2 = arith.muli %add3A, %mul3A_1 : i32
    "tpu.region"() ({
      %run_scoped3A = tpu.sem_alloc : memref<!tpu.dma_semaphore, #tpu.memory_space<semaphore_mem>>
      %dma_start3A_73 = arith.constant 0 : i32
      %dma_start3A_74 = arith.constant 0 : i32
      %dma_start3A_75 = tpu.memref_slice %arg2[%add3A, %dma_start3A_73, %dma_start3A_74] : memref<32x200x128xi32, #tpu.memory_space<hbm>> -> memref<1x200x128xi32, #tpu.memory_space<hbm>>
      %dma_start3A_76 = tpu.memref_squeeze %dma_start3A_75 : memref<1x200x128xi32, #tpu.memory_space<hbm>> -> memref<200x128xi32, #tpu.memory_space<hbm>>
      %dma_start3A_77 = arith.constant 0 : i32
      %dma_start3A_78 = arith.constant 0 : i32
      %dma_start3A_79 = tpu.memref_slice %arg2[%add3A, %dma_start3A_77, %dma_start3A_78] : memref<32x200x128xi32, #tpu.memory_space<hbm>> -> memref<1x200x128xi32, #tpu.memory_space<hbm>>
      %dma_start3A_80 = tpu.memref_squeeze %dma_start3A_79 : memref<1x200x128xi32, #tpu.memory_space<hbm>> -> memref<200x128xi32, #tpu.memory_space<hbm>>
      tpu.enqueue_dma source(%dma_start3A_80 : memref<200x128xi32, #tpu.memory_space<hbm>>) target(%arg5 : memref<200x128xi32, #tpu.memory_space<vmem>>) target_semaphore(%run_scoped3A : memref<!tpu.dma_semaphore, #tpu.memory_space<semaphore_mem>>)
      %dma_wait3A_81 = arith.constant 0 : i32
      %dma_wait3A_82 = arith.constant 0 : i32
      %dma_wait3A_83 = tpu.memref_slice %arg2[%add3A, %dma_wait3A_81, %dma_wait3A_82] : memref<32x200x128xi32, #tpu.memory_space<hbm>> -> memref<1x200x128xi32, #tpu.memory_space<hbm>>
      %dma_wait3A_84 = tpu.memref_squeeze %dma_wait3A_83 : memref<1x200x128xi32, #tpu.memory_space<hbm>> -> memref<200x128xi32, #tpu.memory_space<hbm>>
      %dma_wait3A_85 = arith.constant 0 : i32
      %dma_wait3A_86 = arith.constant 0 : i32
      %dma_wait3A_87 = tpu.memref_slice %arg2[%add3A, %dma_wait3A_85, %dma_wait3A_86] : memref<32x200x128xi32, #tpu.memory_space<hbm>> -> memref<1x200x128xi32, #tpu.memory_space<hbm>>
      %dma_wait3A_88 = tpu.memref_squeeze %dma_wait3A_87 : memref<1x200x128xi32, #tpu.memory_space<hbm>> -> memref<200x128xi32, #tpu.memory_space<hbm>>
      tpu.wait_dma2 semaphore(%run_scoped3A : memref<!tpu.dma_semaphore, #tpu.memory_space<semaphore_mem>>) src(%dma_wait3A_88 : memref<200x128xi32, #tpu.memory_space<hbm>>) dst(%arg5 : memref<200x128xi32, #tpu.memory_space<vmem>>)
      tpu.yield
    }) : () -> ()
    %dma_start3A = arith.constant 0 : i32
    %dma_start3A_3 = arith.constant 0 : i32
    %dma_start3A_4 = tpu.memref_slice %arg5[%dma_start3A, %dma_start3A_3] : memref<200x128xi32, #tpu.memory_space<vmem>> -> memref<1x128xi32, #tpu.memory_space<vmem>>
    %dma_start3A_5 = tpu.memref_squeeze %dma_start3A_4 : memref<1x128xi32, #tpu.memory_space<vmem>> -> memref<128xi32, #tpu.memory_space<vmem>>
    %dma_start3A_6 = arith.constant 0 : i32
    %dma_start3A_7 = arith.constant 0 : i32
    %dma_start3A_8 = tpu.memref_slice %arg3[%dma_start3A_6, %dma_start3A_7] : memref<1000000x128xf32, #tpu.memory_space<hbm>> -> memref<1000000x128xf32, #tpu.memory_space<hbm>>
    tpu.enqueue_indirect_dma source(%dma_start3A_8 : memref<1000000x128xf32, #tpu.memory_space<hbm>>) target(%arg6 : memref<128x128xf32, #tpu.memory_space<vmem>>) offsets(%dma_start3A_5 : memref<128xi32, #tpu.memory_space<vmem>>) semaphore(%arg10 : memref<!tpu.dma_semaphore, #tpu.memory_space<semaphore_mem>>)
    %dma_start3A_9 = arith.constant 1 : i32
    %dma_start3A_10 = arith.constant 0 : i32
    %dma_start3A_11 = tpu.memref_slice %arg5[%dma_start3A_9, %dma_start3A_10] : memref<200x128xi32, #tpu.memory_space<vmem>> -> memref<1x128xi32, #tpu.memory_space<vmem>>
    %dma_start3A_12 = tpu.memref_squeeze %dma_start3A_11 : memref<1x128xi32, #tpu.memory_space<vmem>> -> memref<128xi32, #tpu.memory_space<vmem>>
    %dma_start3A_13 = arith.constant 0 : i32
    %dma_start3A_14 = arith.constant 0 : i32
    %dma_start3A_15 = tpu.memref_slice %arg3[%dma_start3A_13, %dma_start3A_14] : memref<1000000x128xf32, #tpu.memory_space<hbm>> -> memref<1000000x128xf32, #tpu.memory_space<hbm>>
    tpu.enqueue_indirect_dma source(%dma_start3A_15 : memref<1000000x128xf32, #tpu.memory_space<hbm>>) target(%arg7 : memref<128x128xf32, #tpu.memory_space<vmem>>) offsets(%dma_start3A_12 : memref<128xi32, #tpu.memory_space<vmem>>) semaphore(%arg11 : memref<!tpu.dma_semaphore, #tpu.memory_space<semaphore_mem>>)
    %dma_wait3A = arith.constant 0 : i32
    %dma_wait3A_16 = arith.constant 0 : i32
    %dma_wait3A_17 = tpu.memref_slice %arg5[%dma_wait3A, %dma_wait3A_16] : memref<200x128xi32, #tpu.memory_space<vmem>> -> memref<1x128xi32, #tpu.memory_space<vmem>>
    %dma_wait3A_18 = tpu.memref_squeeze %dma_wait3A_17 : memref<1x128xi32, #tpu.memory_space<vmem>> -> memref<128xi32, #tpu.memory_space<vmem>>
    %dma_wait3A_19 = arith.constant 0 : i32
    %dma_wait3A_20 = arith.constant 0 : i32
    %dma_wait3A_21 = tpu.memref_slice %arg3[%dma_wait3A_19, %dma_wait3A_20] : memref<1000000x128xf32, #tpu.memory_space<hbm>> -> memref<1000000x128xf32, #tpu.memory_space<hbm>>
    tpu.wait_indirect_dma semaphore(%arg10 : memref<!tpu.dma_semaphore, #tpu.memory_space<semaphore_mem>>) src(%dma_wait3A_21 : memref<1000000x128xf32, #tpu.memory_space<hbm>>) dst(%arg6 : memref<128x128xf32, #tpu.memory_space<vmem>>)
    %parallel_loop3A = arith.constant 0 : i32
    %parallel_loop3A_22 = arith.constant 128 : i32
    %parallel_loop3A_23 = arith.constant 1 : i32
    scf.for %parallel_loop3A_73 = %parallel_loop3A to %parallel_loop3A_22 step %parallel_loop3A_23  : i32 {
      %parallel_loop3A_74 = arith.index_cast %parallel_loop3A_73 : i32 to index
      %parallel_loop3A_75 = arith.constant 0 : index
      %parallel_loop3A_76 = tpu.vector_load %arg6[%parallel_loop3A_74, %parallel_loop3A_75] {strides = array<i32>} : memref<128x128xf32, #tpu.memory_space<vmem>>, vector<16xf32>,
      %parallel_loop3A_77 = arith.constant 8.000000e+00 : f32
      %parallel_loop3A_78 = vector.broadcast %parallel_loop3A_77 : f32 to vector<16xf32>
      %parallel_loop3A_79 = arith.mulf %parallel_loop3A_76, %parallel_loop3A_78 : vector<16xf32>
      %parallel_loop3A_80 = arith.index_cast %parallel_loop3A_73 : i32 to index
      %parallel_loop3A_81 = arith.constant 0 : index
      %parallel_loop3A_82 = tpu.vector_load %arg8[%parallel_loop3A_80, %parallel_loop3A_81] {strides = array<i32>} : memref<128x64xf32, #tpu.memory_space<vmem>>, vector<16xf32>,
      tpu.vector_store %arg8[%parallel_loop3A_80, %parallel_loop3A_81], %parallel_loop3A_79 {strides = array<i32>} : memref<128x64xf32, #tpu.memory_space<vmem>>, vector<16xf32>,
      %parallel_loop3A_83 = arith.index_cast %parallel_loop3A_73 : i32 to index
      %parallel_loop3A_84 = arith.constant 16 : index
      %parallel_loop3A_85 = tpu.vector_load %arg6[%parallel_loop3A_83, %parallel_loop3A_84] {strides = array<i32>} : memref<128x128xf32, #tpu.memory_space<vmem>>, vector<16xf32>,
      %parallel_loop3A_86 = arith.constant 8.000000e+00 : f32
      %parallel_loop3A_87 = vector.broadcast %parallel_loop3A_86 : f32 to vector<16xf32>
      %parallel_loop3A_88 = arith.mulf %parallel_loop3A_85, %parallel_loop3A_87 : vector<16xf32>
      %parallel_loop3A_89 = arith.index_cast %parallel_loop3A_73 : i32 to index
      %parallel_loop3A_90 = arith.constant 16 : index
      %parallel_loop3A_91 = tpu.vector_load %arg8[%parallel_loop3A_89, %parallel_loop3A_90] {strides = array<i32>} : memref<128x64xf32, #tpu.memory_space<vmem>>, vector<16xf32>,
      tpu.vector_store %arg8[%parallel_loop3A_89, %parallel_loop3A_90], %parallel_loop3A_88 {strides = array<i32>} : memref<128x64xf32, #tpu.memory_space<vmem>>, vector<16xf32>,
      %parallel_loop3A_92 = arith.index_cast %parallel_loop3A_73 : i32 to index
      %parallel_loop3A_93 = arith.constant 32 : index
      %parallel_loop3A_94 = tpu.vector_load %arg6[%parallel_loop3A_92, %parallel_loop3A_93] {strides = array<i32>} : memref<128x128xf32, #tpu.memory_space<vmem>>, vector<16xf32>,
      %parallel_loop3A_95 = arith.constant 8.000000e+00 : f32
      %parallel_loop3A_96 = vector.broadcast %parallel_loop3A_95 : f32 to vector<16xf32>
      %parallel_loop3A_97 = arith.mulf %parallel_loop3A_94, %parallel_loop3A_96 : vector<16xf32>
      %parallel_loop3A_98 = arith.index_cast %parallel_loop3A_73 : i32 to index
      %parallel_loop3A_99 = arith.constant 32 : index
      %parallel_loop3A_100 = tpu.vector_load %arg8[%parallel_loop3A_98, %parallel_loop3A_99] {strides = array<i32>} : memref<128x64xf32, #tpu.memory_space<vmem>>, vector<16xf32>,
      tpu.vector_store %arg8[%parallel_loop3A_98, %parallel_loop3A_99], %parallel_loop3A_97 {strides = array<i32>} : memref<128x64xf32, #tpu.memory_space<vmem>>, vector<16xf32>,
      %parallel_loop3A_101 = arith.index_cast %parallel_loop3A_73 : i32 to index
      %parallel_loop3A_102 = arith.constant 48 : index
      %parallel_loop3A_103 = tpu.vector_load %arg6[%parallel_loop3A_101, %parallel_loop3A_102] {strides = array<i32>} : memref<128x128xf32, #tpu.memory_space<vmem>>, vector<16xf32>,
      %parallel_loop3A_104 = arith.constant 8.000000e+00 : f32
      %parallel_loop3A_105 = vector.broadcast %parallel_loop3A_104 : f32 to vector<16xf32>
      %parallel_loop3A_106 = arith.mulf %parallel_loop3A_103, %parallel_loop3A_105 : vector<16xf32>
      %parallel_loop3A_107 = arith.index_cast %parallel_loop3A_73 : i32 to index
      %parallel_loop3A_108 = arith.constant 48 : index
      %parallel_loop3A_109 = tpu.vector_load %arg8[%parallel_loop3A_107, %parallel_loop3A_108] {strides = array<i32>} : memref<128x64xf32, #tpu.memory_space<vmem>>, vector<16xf32>,
      tpu.vector_store %arg8[%parallel_loop3A_107, %parallel_loop3A_108], %parallel_loop3A_106 {strides = array<i32>} : memref<128x64xf32, #tpu.memory_space<vmem>>, vector<16xf32>,
    } {sc.loop_unroll_factor = 1 : i64, sc.parallel_access}
    %add3A_24 = arith.constant 0 : i32
    %add3A_25 = arith.addi %mul3A_2, %add3A_24 : i32
    %dma_start3A_26 = arith.constant 0 : i32
    %dma_start3A_27 = tpu.memref_slice %arg4[%add3A_25, %dma_start3A_26] : memref<819200x64xf32, #tpu.memory_space<hbm>> -> memref<128x64xf32, #tpu.memory_space<hbm>>
    %dma_start3A_28 = arith.constant 0 : i32
    %dma_start3A_29 = tpu.memref_slice %arg4[%add3A_25, %dma_start3A_28] : memref<819200x64xf32, #tpu.memory_space<hbm>> -> memref<128x64xf32, #tpu.memory_space<hbm>>
    tpu.enqueue_dma source(%arg8 : memref<128x64xf32, #tpu.memory_space<vmem>>) target(%dma_start3A_29 : memref<128x64xf32, #tpu.memory_space<hbm>>) target_semaphore(%arg12 : memref<!tpu.dma_semaphore, #tpu.memory_space<semaphore_mem>>)
    %dma_start3A_30 = arith.constant 2 : i32
    %dma_start3A_31 = arith.constant 0 : i32
    %dma_start3A_32 = tpu.memref_slice %arg5[%dma_start3A_30, %dma_start3A_31] : memref<200x128xi32, #tpu.memory_space<vmem>> -> memref<1x128xi32, #tpu.memory_space<vmem>>
    %dma_start3A_33 = tpu.memref_squeeze %dma_start3A_32 : memref<1x128xi32, #tpu.memory_space<vmem>> -> memref<128xi32, #tpu.memory_space<vmem>>
    %dma_start3A_34 = arith.constant 0 : i32
    %dma_start3A_35 = arith.constant 0 : i32
    %dma_start3A_36 = tpu.memref_slice %arg3[%dma_start3A_34, %dma_start3A_35] : memref<1000000x128xf32, #tpu.memory_space<hbm>> -> memref<1000000x128xf32, #tpu.memory_space<hbm>>
    tpu.enqueue_indirect_dma source(%dma_start3A_36 : memref<1000000x128xf32, #tpu.memory_space<hbm>>) target(%arg6 : memref<128x128xf32, #tpu.memory_space<vmem>>) offsets(%dma_start3A_33 : memref<128xi32, #tpu.memory_space<vmem>>) semaphore(%arg10 : memref<!tpu.dma_semaphore, #tpu.memory_space<semaphore_mem>>)
    %dma_wait3A_37 = arith.constant 0 : i32
    %dma_wait3A_38 = arith.constant 0 : i32
    %dma_wait3A_39 = tpu.memref_slice %arg5[%dma_wait3A_37, %dma_wait3A_38] : memref<200x128xi32, #tpu.memory_space<vmem>> -> memref<1x128xi32, #tpu.memory_space<vmem>>
    %dma_wait3A_40 = tpu.memref_squeeze %dma_wait3A_39 : memref<1x128xi32, #tpu.memory_space<vmem>> -> memref<128xi32, #tpu.memory_space<vmem>>
    %dma_wait3A_41 = arith.constant 0 : i32
    %dma_wait3A_42 = arith.constant 0 : i32
    %dma_wait3A_43 = tpu.memref_slice %arg3[%dma_wait3A_41, %dma_wait3A_42] : memref<1000000x128xf32, #tpu.memory_space<hbm>> -> memref<1000000x128xf32, #tpu.memory_space<hbm>>
    tpu.wait_indirect_dma semaphore(%arg11 : memref<!tpu.dma_semaphore, #tpu.memory_space<semaphore_mem>>) src(%dma_wait3A_43 : memref<1000000x128xf32, #tpu.memory_space<hbm>>) dst(%arg7 : memref<128x128xf32, #tpu.memory_space<vmem>>)
    %parallel_loop3A_44 = arith.constant 0 : i32
    %parallel_loop3A_45 = arith.constant 128 : i32
    %parallel_loop3A_46 = arith.constant 1 : i32
    scf.for %parallel_loop3A_73 = %parallel_loop3A_44 to %parallel_loop3A_45 step %parallel_loop3A_46  : i32 {
      %parallel_loop3A_74 = arith.index_cast %parallel_loop3A_73 : i32 to index
      %parallel_loop3A_75 = arith.constant 0 : index
      %parallel_loop3A_76 = tpu.vector_load %arg7[%parallel_loop3A_74, %parallel_loop3A_75] {strides = array<i32>} : memref<128x128xf32, #tpu.memory_space<vmem>>, vector<16xf32>,
      %parallel_loop3A_77 = arith.constant 8.000000e+00 : f32
      %parallel_loop3A_78 = vector.broadcast %parallel_loop3A_77 : f32 to vector<16xf32>
      %parallel_loop3A_79 = arith.mulf %parallel_loop3A_76, %parallel_loop3A_78 : vector<16xf32>
      %parallel_loop3A_80 = arith.index_cast %parallel_loop3A_73 : i32 to index
      %parallel_loop3A_81 = arith.constant 0 : index
      %parallel_loop3A_82 = tpu.vector_load %arg9[%parallel_loop3A_80, %parallel_loop3A_81] {strides = array<i32>} : memref<128x64xf32, #tpu.memory_space<vmem>>, vector<16xf32>,
      tpu.vector_store %arg9[%parallel_loop3A_80, %parallel_loop3A_81], %parallel_loop3A_79 {strides = array<i32>} : memref<128x64xf32, #tpu.memory_space<vmem>>, vector<16xf32>,
      %parallel_loop3A_83 = arith.index_cast %parallel_loop3A_73 : i32 to index
      %parallel_loop3A_84 = arith.constant 16 : index
      %parallel_loop3A_85 = tpu.vector_load %arg7[%parallel_loop3A_83, %parallel_loop3A_84] {strides = array<i32>} : memref<128x128xf32, #tpu.memory_space<vmem>>, vector<16xf32>,
      %parallel_loop3A_86 = arith.constant 8.000000e+00 : f32
      %parallel_loop3A_87 = vector.broadcast %parallel_loop3A_86 : f32 to vector<16xf32>
      %parallel_loop3A_88 = arith.mulf %parallel_loop3A_85, %parallel_loop3A_87 : vector<16xf32>
      %parallel_loop3A_89 = arith.index_cast %parallel_loop3A_73 : i32 to index
      %parallel_loop3A_90 = arith.constant 16 : index
      %parallel_loop3A_91 = tpu.vector_load %arg9[%parallel_loop3A_89, %parallel_loop3A_90] {strides = array<i32>} : memref<128x64xf32, #tpu.memory_space<vmem>>, vector<16xf32>,
      tpu.vector_store %arg9[%parallel_loop3A_89, %parallel_loop3A_90], %parallel_loop3A_88 {strides = array<i32>} : memref<128x64xf32, #tpu.memory_space<vmem>>, vector<16xf32>,
      %parallel_loop3A_92 = arith.index_cast %parallel_loop3A_73 : i32 to index
      %parallel_loop3A_93 = arith.constant 32 : index
      %parallel_loop3A_94 = tpu.vector_load %arg7[%parallel_loop3A_92, %parallel_loop3A_93] {strides = array<i32>} : memref<128x128xf32, #tpu.memory_space<vmem>>, vector<16xf32>,
      %parallel_loop3A_95 = arith.constant 8.000000e+00 : f32
      %parallel_loop3A_96 = vector.broadcast %parallel_loop3A_95 : f32 to vector<16xf32>
      %parallel_loop3A_97 = arith.mulf %parallel_loop3A_94, %parallel_loop3A_96 : vector<16xf32>
      %parallel_loop3A_98 = arith.index_cast %parallel_loop3A_73 : i32 to index
      %parallel_loop3A_99 = arith.constant 32 : index
      %parallel_loop3A_100 = tpu.vector_load %arg9[%parallel_loop3A_98, %parallel_loop3A_99] {strides = array<i32>} : memref<128x64xf32, #tpu.memory_space<vmem>>, vector<16xf32>,
      tpu.vector_store %arg9[%parallel_loop3A_98, %parallel_loop3A_99], %parallel_loop3A_97 {strides = array<i32>} : memref<128x64xf32, #tpu.memory_space<vmem>>, vector<16xf32>,
      %parallel_loop3A_101 = arith.index_cast %parallel_loop3A_73 : i32 to index
      %parallel_loop3A_102 = arith.constant 48 : index
      %parallel_loop3A_103 = tpu.vector_load %arg7[%parallel_loop3A_101, %parallel_loop3A_102] {strides = array<i32>} : memref<128x128xf32, #tpu.memory_space<vmem>>, vector<16xf32>,
      %parallel_loop3A_104 = arith.constant 8.000000e+00 : f32
      %parallel_loop3A_105 = vector.broadcast %parallel_loop3A_104 : f32 to vector<16xf32>
      %parallel_loop3A_106 = arith.mulf %parallel_loop3A_103, %parallel_loop3A_105 : vector<16xf32>
      %parallel_loop3A_107 = arith.index_cast %parallel_loop3A_73 : i32 to index
      %parallel_loop3A_108 = arith.constant 48 : index
      %parallel_loop3A_109 = tpu.vector_load %arg9[%parallel_loop3A_107, %parallel_loop3A_108] {strides = array<i32>} : memref<128x64xf32, #tpu.memory_space<vmem>>, vector<16xf32>,
      tpu.vector_store %arg9[%parallel_loop3A_107, %parallel_loop3A_108], %parallel_loop3A_106 {strides = array<i32>} : memref<128x64xf32, #tpu.memory_space<vmem>>, vector<16xf32>,
    } {sc.loop_unroll_factor = 1 : i64, sc.parallel_access}
    %add3A_47 = arith.constant 128 : i32
    %add3A_48 = arith.addi %mul3A_2, %add3A_47 : i32
    %dma_start3A_49 = arith.constant 0 : i32
    %dma_start3A_50 = tpu.memref_slice %arg4[%add3A_48, %dma_start3A_49] : memref<819200x64xf32, #tpu.memory_space<hbm>> -> memref<128x64xf32, #tpu.memory_space<hbm>>
    %dma_start3A_51 = arith.constant 0 : i32
    %dma_start3A_52 = tpu.memref_slice %arg4[%add3A_48, %dma_start3A_51] : memref<819200x64xf32, #tpu.memory_space<hbm>> -> memref<128x64xf32, #tpu.memory_space<hbm>>
    tpu.enqueue_dma source(%arg9 : memref<128x64xf32, #tpu.memory_space<vmem>>) target(%dma_start3A_52 : memref<128x64xf32, #tpu.memory_space<hbm>>) target_semaphore(%arg13 : memref<!tpu.dma_semaphore, #tpu.memory_space<semaphore_mem>>)
    %dma_start3A_53 = arith.constant 3 : i32
    %dma_start3A_54 = arith.constant 0 : i32
    %dma_start3A_55 = tpu.memref_slice %arg5[%dma_start3A_53, %dma_start3A_54] : memref<200x128xi32, #tpu.memory_space<vmem>> -> memref<1x128xi32, #tpu.memory_space<vmem>>
    %dma_start3A_56 = tpu.memref_squeeze %dma_start3A_55 : memref<1x128xi32, #tpu.memory_space<vmem>> -> memref<128xi32, #tpu.memory_space<vmem>>
    %dma_start3A_57 = arith.constant 0 : i32
    %dma_start3A_58 = arith.constant 0 : i32
    %dma_start3A_59 = tpu.memref_slice %arg3[%dma_start3A_57, %dma_start3A_58] : memref<1000000x128xf32, #tpu.memory_space<hbm>> -> memref<1000000x128xf32, #tpu.memory_space<hbm>>
    tpu.enqueue_indirect_dma source(%dma_start3A_59 : memref<1000000x128xf32, #tpu.memory_space<hbm>>) target(%arg7 : memref<128x128xf32, #tpu.memory_space<vmem>>) offsets(%dma_start3A_56 : memref<128xi32, #tpu.memory_space<vmem>>) semaphore(%arg11 : memref<!tpu.dma_semaphore, #tpu.memory_space<semaphore_mem>>)
    %scan3A = arith.constant 0 : i32
    %scan3A_60 = arith.constant 1 : i32
    %scan3A_61 = arith.constant 99 : i32
    %scan3A_62 = arith.addi %scan3A_60, %scan3A_61 : i32
    %scan3A_63 = arith.constant 1 : i32
    scf.for %scan3A_73 = %scan3A_60 to %scan3A_62 step %scan3A_63  : i32 {
      %mul3A_74 = arith.constant 2 : i32
      %mul3A_75 = arith.muli %mul3A_74, %scan3A_73 : i32
      %add3A_76 = arith.constant 0 : i32
      %add3A_77 = arith.addi %mul3A_75, %add3A_76 : i32
      %dma_wait3A_78 = arith.constant 0 : i32
      %dma_wait3A_79 = arith.constant 0 : i32
      %dma_wait3A_80 = tpu.memref_slice %arg5[%dma_wait3A_78, %dma_wait3A_79] : memref<200x128xi32, #tpu.memory_space<vmem>> -> memref<1x128xi32, #tpu.memory_space<vmem>>
      %dma_wait3A_81 = tpu.memref_squeeze %dma_wait3A_80 : memref<1x128xi32, #tpu.memory_space<vmem>> -> memref<128xi32, #tpu.memory_space<vmem>>
      %dma_wait3A_82 = arith.constant 0 : i32
      %dma_wait3A_83 = arith.constant 0 : i32
      %dma_wait3A_84 = tpu.memref_slice %arg3[%dma_wait3A_82, %dma_wait3A_83] : memref<1000000x128xf32, #tpu.memory_space<hbm>> -> memref<1000000x128xf32, #tpu.memory_space<hbm>>
      tpu.wait_indirect_dma semaphore(%arg10 : memref<!tpu.dma_semaphore, #tpu.memory_space<semaphore_mem>>) src(%dma_wait3A_84 : memref<1000000x128xf32, #tpu.memory_space<hbm>>) dst(%arg6 : memref<128x128xf32, #tpu.memory_space<vmem>>)
      %dma_wait3A_85 = arith.constant 0 : i32
      %dma_wait3A_86 = tpu.memref_slice %arg4[%mul3A_2, %dma_wait3A_85] : memref<819200x64xf32, #tpu.memory_space<hbm>> -> memref<128x64xf32, #tpu.memory_space<hbm>>
      %dma_wait3A_87 = arith.constant 0 : i32
      %dma_wait3A_88 = tpu.memref_slice %arg4[%mul3A_2, %dma_wait3A_87] : memref<819200x64xf32, #tpu.memory_space<hbm>> -> memref<128x64xf32, #tpu.memory_space<hbm>>
      tpu.wait_dma2 semaphore(%arg12 : memref<!tpu.dma_semaphore, #tpu.memory_space<semaphore_mem>>) src(%arg8 : memref<128x64xf32, #tpu.memory_space<vmem>>) dst(%dma_wait3A_88 : memref<128x64xf32, #tpu.memory_space<hbm>>)
      %parallel_loop3A_89 = arith.constant 0 : i32
      %parallel_loop3A_90 = arith.constant 128 : i32
      %parallel_loop3A_91 = arith.constant 1 : i32
      scf.for %parallel_loop3A_135 = %parallel_loop3A_89 to %parallel_loop3A_90 step %parallel_loop3A_91  : i32 {
        %parallel_loop3A_136 = arith.index_cast %parallel_loop3A_135 : i32 to index
        %parallel_loop3A_137 = arith.constant 0 : index
        %parallel_loop3A_138 = tpu.vector_load %arg6[%parallel_loop3A_136, %parallel_loop3A_137] {strides = array<i32>} : memref<128x128xf32, #tpu.memory_space<vmem>>, vector<16xf32>,
        %parallel_loop3A_139 = arith.constant 8.000000e+00 : f32
        %parallel_loop3A_140 = vector.broadcast %parallel_loop3A_139 : f32 to vector<16xf32>
        %parallel_loop3A_141 = arith.mulf %parallel_loop3A_138, %parallel_loop3A_140 : vector<16xf32>
        %parallel_loop3A_142 = arith.index_cast %parallel_loop3A_135 : i32 to index
        %parallel_loop3A_143 = arith.constant 0 : index
        %parallel_loop3A_144 = tpu.vector_load %arg8[%parallel_loop3A_142, %parallel_loop3A_143] {strides = array<i32>} : memref<128x64xf32, #tpu.memory_space<vmem>>, vector<16xf32>,
        tpu.vector_store %arg8[%parallel_loop3A_142, %parallel_loop3A_143], %parallel_loop3A_141 {strides = array<i32>} : memref<128x64xf32, #tpu.memory_space<vmem>>, vector<16xf32>,
        %parallel_loop3A_145 = arith.index_cast %parallel_loop3A_135 : i32 to index
        %parallel_loop3A_146 = arith.constant 16 : index
        %parallel_loop3A_147 = tpu.vector_load %arg6[%parallel_loop3A_145, %parallel_loop3A_146] {strides = array<i32>} : memref<128x128xf32, #tpu.memory_space<vmem>>, vector<16xf32>,
        %parallel_loop3A_148 = arith.constant 8.000000e+00 : f32
        %parallel_loop3A_149 = vector.broadcast %parallel_loop3A_148 : f32 to vector<16xf32>
        %parallel_loop3A_150 = arith.mulf %parallel_loop3A_147, %parallel_loop3A_149 : vector<16xf32>
        %parallel_loop3A_151 = arith.index_cast %parallel_loop3A_135 : i32 to index
        %parallel_loop3A_152 = arith.constant 16 : index
        %parallel_loop3A_153 = tpu.vector_load %arg8[%parallel_loop3A_151, %parallel_loop3A_152] {strides = array<i32>} : memref<128x64xf32, #tpu.memory_space<vmem>>, vector<16xf32>,
        tpu.vector_store %arg8[%parallel_loop3A_151, %parallel_loop3A_152], %parallel_loop3A_150 {strides = array<i32>} : memref<128x64xf32, #tpu.memory_space<vmem>>, vector<16xf32>,
        %parallel_loop3A_154 = arith.index_cast %parallel_loop3A_135 : i32 to index
        %parallel_loop3A_155 = arith.constant 32 : index
        %parallel_loop3A_156 = tpu.vector_load %arg6[%parallel_loop3A_154, %parallel_loop3A_155] {strides = array<i32>} : memref<128x128xf32, #tpu.memory_space<vmem>>, vector<16xf32>,
        %parallel_loop3A_157 = arith.constant 8.000000e+00 : f32
        %parallel_loop3A_158 = vector.broadcast %parallel_loop3A_157 : f32 to vector<16xf32>
        %parallel_loop3A_159 = arith.mulf %parallel_loop3A_156, %parallel_loop3A_158 : vector<16xf32>
        %parallel_loop3A_160 = arith.index_cast %parallel_loop3A_135 : i32 to index
        %parallel_loop3A_161 = arith.constant 32 : index
        %parallel_loop3A_162 = tpu.vector_load %arg8[%parallel_loop3A_160, %parallel_loop3A_161] {strides = array<i32>} : memref<128x64xf32, #tpu.memory_space<vmem>>, vector<16xf32>,
        tpu.vector_store %arg8[%parallel_loop3A_160, %parallel_loop3A_161], %parallel_loop3A_159 {strides = array<i32>} : memref<128x64xf32, #tpu.memory_space<vmem>>, vector<16xf32>,
        %parallel_loop3A_163 = arith.index_cast %parallel_loop3A_135 : i32 to index
        %parallel_loop3A_164 = arith.constant 48 : index
        %parallel_loop3A_165 = tpu.vector_load %arg6[%parallel_loop3A_163, %parallel_loop3A_164] {strides = array<i32>} : memref<128x128xf32, #tpu.memory_space<vmem>>, vector<16xf32>,
        %parallel_loop3A_166 = arith.constant 8.000000e+00 : f32
        %parallel_loop3A_167 = vector.broadcast %parallel_loop3A_166 : f32 to vector<16xf32>
        %parallel_loop3A_168 = arith.mulf %parallel_loop3A_165, %parallel_loop3A_167 : vector<16xf32>
        %parallel_loop3A_169 = arith.index_cast %parallel_loop3A_135 : i32 to index
        %parallel_loop3A_170 = arith.constant 48 : index
        %parallel_loop3A_171 = tpu.vector_load %arg8[%parallel_loop3A_169, %parallel_loop3A_170] {strides = array<i32>} : memref<128x64xf32, #tpu.memory_space<vmem>>, vector<16xf32>,
        tpu.vector_store %arg8[%parallel_loop3A_169, %parallel_loop3A_170], %parallel_loop3A_168 {strides = array<i32>} : memref<128x64xf32, #tpu.memory_space<vmem>>, vector<16xf32>,
      } {sc.loop_unroll_factor = 1 : i64, sc.parallel_access}
      %mul3A_92 = arith.constant 128 : i32
      %mul3A_93 = arith.muli %add3A_77, %mul3A_92 : i32
      %add3A_94 = arith.addi %mul3A_2, %mul3A_93 : i32
      %dma_start3A_95 = arith.constant 0 : i32
      %dma_start3A_96 = tpu.memref_slice %arg4[%add3A_94, %dma_start3A_95] : memref<819200x64xf32, #tpu.memory_space<hbm>> -> memref<128x64xf32, #tpu.memory_space<hbm>>
      %dma_start3A_97 = arith.constant 0 : i32
      %dma_start3A_98 = tpu.memref_slice %arg4[%add3A_94, %dma_start3A_97] : memref<819200x64xf32, #tpu.memory_space<hbm>> -> memref<128x64xf32, #tpu.memory_space<hbm>>
      tpu.enqueue_dma source(%arg8 : memref<128x64xf32, #tpu.memory_space<vmem>>) target(%dma_start3A_98 : memref<128x64xf32, #tpu.memory_space<hbm>>) target_semaphore(%arg12 : memref<!tpu.dma_semaphore, #tpu.memory_space<semaphore_mem>>)
      %add3A_99 = arith.constant 2 : i32
      %add3A_100 = arith.addi %add3A_77, %add3A_99 : i32
      %lt3A = arith.constant 200 : i32
      %lt3A_101 = arith.cmpi slt, %add3A_100, %lt3A : i32
      %convert_element_type3A = arith.extui %lt3A_101 : i1 to i32
      %cond3A = arith.constant 0 : i32
      %cond3A_102 = arith.cmpi ne, %convert_element_type3A, %cond3A : i32
      scf.if %cond3A_102 {
        %add3A_135 = arith.constant 2 : i32
        %add3A_136 = arith.addi %add3A_77, %add3A_135 : i32
        %dma_start3A_137 = arith.constant 0 : i32
        %dma_start3A_138 = tpu.memref_slice %arg5[%add3A_136, %dma_start3A_137] : memref<200x128xi32, #tpu.memory_space<vmem>> -> memref<1x128xi32, #tpu.memory_space<vmem>>
        %dma_start3A_139 = tpu.memref_squeeze %dma_start3A_138 : memref<1x128xi32, #tpu.memory_space<vmem>> -> memref<128xi32, #tpu.memory_space<vmem>>
        %dma_start3A_140 = arith.constant 0 : i32
        %dma_start3A_141 = arith.constant 0 : i32
        %dma_start3A_142 = tpu.memref_slice %arg3[%dma_start3A_140, %dma_start3A_141] : memref<1000000x128xf32, #tpu.memory_space<hbm>> -> memref<1000000x128xf32, #tpu.memory_space<hbm>>
        tpu.enqueue_indirect_dma source(%dma_start3A_142 : memref<1000000x128xf32, #tpu.memory_space<hbm>>) target(%arg6 : memref<128x128xf32, #tpu.memory_space<vmem>>) offsets(%dma_start3A_139 : memref<128xi32, #tpu.memory_space<vmem>>) semaphore(%arg10 : memref<!tpu.dma_semaphore, #tpu.memory_space<semaphore_mem>>)
      } else {
      }
      %mul3A_103 = arith.constant 2 : i32
      %mul3A_104 = arith.muli %mul3A_103, %scan3A_73 : i32
      %add3A_105 = arith.constant 1 : i32
      %add3A_106 = arith.addi %mul3A_104, %add3A_105 : i32
      %dma_wait3A_107 = arith.constant 0 : i32
      %dma_wait3A_108 = arith.constant 0 : i32
      %dma_wait3A_109 = tpu.memref_slice %arg5[%dma_wait3A_107, %dma_wait3A_108] : memref<200x128xi32, #tpu.memory_space<vmem>> -> memref<1x128xi32, #tpu.memory_space<vmem>>
      %dma_wait3A_110 = tpu.memref_squeeze %dma_wait3A_109 : memref<1x128xi32, #tpu.memory_space<vmem>> -> memref<128xi32, #tpu.memory_space<vmem>>
      %dma_wait3A_111 = arith.constant 0 : i32
      %dma_wait3A_112 = arith.constant 0 : i32
      %dma_wait3A_113 = tpu.memref_slice %arg3[%dma_wait3A_111, %dma_wait3A_112] : memref<1000000x128xf32, #tpu.memory_space<hbm>> -> memref<1000000x128xf32, #tpu.memory_space<hbm>>
      tpu.wait_indirect_dma semaphore(%arg11 : memref<!tpu.dma_semaphore, #tpu.memory_space<semaphore_mem>>) src(%dma_wait3A_113 : memref<1000000x128xf32, #tpu.memory_space<hbm>>) dst(%arg7 : memref<128x128xf32, #tpu.memory_space<vmem>>)
      %dma_wait3A_114 = arith.constant 0 : i32
      %dma_wait3A_115 = tpu.memref_slice %arg4[%mul3A_2, %dma_wait3A_114] : memref<819200x64xf32, #tpu.memory_space<hbm>> -> memref<128x64xf32, #tpu.memory_space<hbm>>
      %dma_wait3A_116 = arith.constant 0 : i32
      %dma_wait3A_117 = tpu.memref_slice %arg4[%mul3A_2, %dma_wait3A_116] : memref<819200x64xf32, #tpu.memory_space<hbm>> -> memref<128x64xf32, #tpu.memory_space<hbm>>
      tpu.wait_dma2 semaphore(%arg13 : memref<!tpu.dma_semaphore, #tpu.memory_space<semaphore_mem>>) src(%arg9 : memref<128x64xf32, #tpu.memory_space<vmem>>) dst(%dma_wait3A_117 : memref<128x64xf32, #tpu.memory_space<hbm>>)
      %parallel_loop3A_118 = arith.constant 0 : i32
      %parallel_loop3A_119 = arith.constant 128 : i32
      %parallel_loop3A_120 = arith.constant 1 : i32
      scf.for %parallel_loop3A_135 = %parallel_loop3A_118 to %parallel_loop3A_119 step %parallel_loop3A_120  : i32 {
        %parallel_loop3A_136 = arith.index_cast %parallel_loop3A_135 : i32 to index
        %parallel_loop3A_137 = arith.constant 0 : index
        %parallel_loop3A_138 = tpu.vector_load %arg7[%parallel_loop3A_136, %parallel_loop3A_137] {strides = array<i32>} : memref<128x128xf32, #tpu.memory_space<vmem>>, vector<16xf32>,
        %parallel_loop3A_139 = arith.constant 8.000000e+00 : f32
        %parallel_loop3A_140 = vector.broadcast %parallel_loop3A_139 : f32 to vector<16xf32>
        %parallel_loop3A_141 = arith.mulf %parallel_loop3A_138, %parallel_loop3A_140 : vector<16xf32>
        %parallel_loop3A_142 = arith.index_cast %parallel_loop3A_135 : i32 to index
        %parallel_loop3A_143 = arith.constant 0 : index
        %parallel_loop3A_144 = tpu.vector_load %arg9[%parallel_loop3A_142, %parallel_loop3A_143] {strides = array<i32>} : memref<128x64xf32, #tpu.memory_space<vmem>>, vector<16xf32>,
        tpu.vector_store %arg9[%parallel_loop3A_142, %parallel_loop3A_143], %parallel_loop3A_141 {strides = array<i32>} : memref<128x64xf32, #tpu.memory_space<vmem>>, vector<16xf32>,
        %parallel_loop3A_145 = arith.index_cast %parallel_loop3A_135 : i32 to index
        %parallel_loop3A_146 = arith.constant 16 : index
        %parallel_loop3A_147 = tpu.vector_load %arg7[%parallel_loop3A_145, %parallel_loop3A_146] {strides = array<i32>} : memref<128x128xf32, #tpu.memory_space<vmem>>, vector<16xf32>,
        %parallel_loop3A_148 = arith.constant 8.000000e+00 : f32
        %parallel_loop3A_149 = vector.broadcast %parallel_loop3A_148 : f32 to vector<16xf32>
        %parallel_loop3A_150 = arith.mulf %parallel_loop3A_147, %parallel_loop3A_149 : vector<16xf32>
        %parallel_loop3A_151 = arith.index_cast %parallel_loop3A_135 : i32 to index
        %parallel_loop3A_152 = arith.constant 16 : index
        %parallel_loop3A_153 = tpu.vector_load %arg9[%parallel_loop3A_151, %parallel_loop3A_152] {strides = array<i32>} : memref<128x64xf32, #tpu.memory_space<vmem>>, vector<16xf32>,
        tpu.vector_store %arg9[%parallel_loop3A_151, %parallel_loop3A_152], %parallel_loop3A_150 {strides = array<i32>} : memref<128x64xf32, #tpu.memory_space<vmem>>, vector<16xf32>,
        %parallel_loop3A_154 = arith.index_cast %parallel_loop3A_135 : i32 to index
        %parallel_loop3A_155 = arith.constant 32 : index
        %parallel_loop3A_156 = tpu.vector_load %arg7[%parallel_loop3A_154, %parallel_loop3A_155] {strides = array<i32>} : memref<128x128xf32, #tpu.memory_space<vmem>>, vector<16xf32>,
        %parallel_loop3A_157 = arith.constant 8.000000e+00 : f32
        %parallel_loop3A_158 = vector.broadcast %parallel_loop3A_157 : f32 to vector<16xf32>
        %parallel_loop3A_159 = arith.mulf %parallel_loop3A_156, %parallel_loop3A_158 : vector<16xf32>
        %parallel_loop3A_160 = arith.index_cast %parallel_loop3A_135 : i32 to index
        %parallel_loop3A_161 = arith.constant 32 : index
        %parallel_loop3A_162 = tpu.vector_load %arg9[%parallel_loop3A_160, %parallel_loop3A_161] {strides = array<i32>} : memref<128x64xf32, #tpu.memory_space<vmem>>, vector<16xf32>,
        tpu.vector_store %arg9[%parallel_loop3A_160, %parallel_loop3A_161], %parallel_loop3A_159 {strides = array<i32>} : memref<128x64xf32, #tpu.memory_space<vmem>>, vector<16xf32>,
        %parallel_loop3A_163 = arith.index_cast %parallel_loop3A_135 : i32 to index
        %parallel_loop3A_164 = arith.constant 48 : index
        %parallel_loop3A_165 = tpu.vector_load %arg7[%parallel_loop3A_163, %parallel_loop3A_164] {strides = array<i32>} : memref<128x128xf32, #tpu.memory_space<vmem>>, vector<16xf32>,
        %parallel_loop3A_166 = arith.constant 8.000000e+00 : f32
        %parallel_loop3A_167 = vector.broadcast %parallel_loop3A_166 : f32 to vector<16xf32>
        %parallel_loop3A_168 = arith.mulf %parallel_loop3A_165, %parallel_loop3A_167 : vector<16xf32>
        %parallel_loop3A_169 = arith.index_cast %parallel_loop3A_135 : i32 to index
        %parallel_loop3A_170 = arith.constant 48 : index
        %parallel_loop3A_171 = tpu.vector_load %arg9[%parallel_loop3A_169, %parallel_loop3A_170] {strides = array<i32>} : memref<128x64xf32, #tpu.memory_space<vmem>>, vector<16xf32>,
        tpu.vector_store %arg9[%parallel_loop3A_169, %parallel_loop3A_170], %parallel_loop3A_168 {strides = array<i32>} : memref<128x64xf32, #tpu.memory_space<vmem>>, vector<16xf32>,
      } {sc.loop_unroll_factor = 1 : i64, sc.parallel_access}
      %mul3A_121 = arith.constant 128 : i32
      %mul3A_122 = arith.muli %add3A_106, %mul3A_121 : i32
      %add3A_123 = arith.addi %mul3A_2, %mul3A_122 : i32
      %dma_start3A_124 = arith.constant 0 : i32
      %dma_start3A_125 = tpu.memref_slice %arg4[%add3A_123, %dma_start3A_124] : memref<819200x64xf32, #tpu.memory_space<hbm>> -> memref<128x64xf32, #tpu.memory_space<hbm>>
      %dma_start3A_126 = arith.constant 0 : i32
      %dma_start3A_127 = tpu.memref_slice %arg4[%add3A_123, %dma_start3A_126] : memref<819200x64xf32, #tpu.memory_space<hbm>> -> memref<128x64xf32, #tpu.memory_space<hbm>>
      tpu.enqueue_dma source(%arg9 : memref<128x64xf32, #tpu.memory_space<vmem>>) target(%dma_start3A_127 : memref<128x64xf32, #tpu.memory_space<hbm>>) target_semaphore(%arg13 : memref<!tpu.dma_semaphore, #tpu.memory_space<semaphore_mem>>)
      %add3A_128 = arith.constant 2 : i32
      %add3A_129 = arith.addi %add3A_106, %add3A_128 : i32
      %lt3A_130 = arith.constant 200 : i32
      %lt3A_131 = arith.cmpi slt, %add3A_129, %lt3A_130 : i32
      %convert_element_type3A_132 = arith.extui %lt3A_131 : i1 to i32
      %cond3A_133 = arith.constant 0 : i32
      %cond3A_134 = arith.cmpi ne, %convert_element_type3A_132, %cond3A_133 : i32
      scf.if %cond3A_134 {
        %add3A_135 = arith.constant 2 : i32
        %add3A_136 = arith.addi %add3A_106, %add3A_135 : i32
        %dma_start3A_137 = arith.constant 0 : i32
        %dma_start3A_138 = tpu.memref_slice %arg5[%add3A_136, %dma_start3A_137] : memref<200x128xi32, #tpu.memory_space<vmem>> -> memref<1x128xi32, #tpu.memory_space<vmem>>
        %dma_start3A_139 = tpu.memref_squeeze %dma_start3A_138 : memref<1x128xi32, #tpu.memory_space<vmem>> -> memref<128xi32, #tpu.memory_space<vmem>>
        %dma_start3A_140 = arith.constant 0 : i32
        %dma_start3A_141 = arith.constant 0 : i32
        %dma_start3A_142 = tpu.memref_slice %arg3[%dma_start3A_140, %dma_start3A_141] : memref<1000000x128xf32, #tpu.memory_space<hbm>> -> memref<1000000x128xf32, #tpu.memory_space<hbm>>
        tpu.enqueue_indirect_dma source(%dma_start3A_142 : memref<1000000x128xf32, #tpu.memory_space<hbm>>) target(%arg7 : memref<128x128xf32, #tpu.memory_space<vmem>>) offsets(%dma_start3A_139 : memref<128xi32, #tpu.memory_space<vmem>>) semaphore(%arg11 : memref<!tpu.dma_semaphore, #tpu.memory_space<semaphore_mem>>)
      } else {
      }
    }
    %scan3A_64 = arith.constant 99 : i32
    %dma_wait3A_65 = arith.constant 0 : i32
    %dma_wait3A_66 = tpu.memref_slice %arg4[%mul3A_2, %dma_wait3A_65] : memref<819200x64xf32, #tpu.memory_space<hbm>> -> memref<128x64xf32, #tpu.memory_space<hbm>>
    %dma_wait3A_67 = arith.constant 0 : i32
    %dma_wait3A_68 = tpu.memref_slice %arg4[%mul3A_2, %dma_wait3A_67] : memref<819200x64xf32, #tpu.memory_space<hbm>> -> memref<128x64xf32, #tpu.memory_space<hbm>>
    tpu.wait_dma2 semaphore(%arg12 : memref<!tpu.dma_semaphore, #tpu.memory_space<semaphore_mem>>) src(%arg8 : memref<128x64xf32, #tpu.memory_space<vmem>>) dst(%dma_wait3A_68 : memref<128x64xf32, #tpu.memory_space<hbm>>)
    %dma_wait3A_69 = arith.constant 0 : i32
    %dma_wait3A_70 = tpu.memref_slice %arg4[%mul3A_2, %dma_wait3A_69] : memref<819200x64xf32, #tpu.memory_space<hbm>> -> memref<128x64xf32, #tpu.memory_space<hbm>>
    %dma_wait3A_71 = arith.constant 0 : i32
    %dma_wait3A_72 = tpu.memref_slice %arg4[%mul3A_2, %dma_wait3A_71] : memref<819200x64xf32, #tpu.memory_space<hbm>> -> memref<128x64xf32, #tpu.memory_space<hbm>>
    tpu.wait_dma2 semaphore(%arg13 : memref<!tpu.dma_semaphore, #tpu.memory_space<semaphore_mem>>) src(%arg9 : memref<128x64xf32, #tpu.memory_space<vmem>>) dst(%dma_wait3A_72 : memref<128x64xf32, #tpu.memory_space<hbm>>)
    return
  }
}

</mosaic_0001>

<sc_bundles>
// kernel: _embedding.3.cloned.1.call-start
scs
__scs_entry_jumppad:
0x0: {  	(pc) =	sbr.rel $0x88, $3  }
0x1: {  	(tag) =	ssettag $0x0;
	lr =	simm.s32 $0x1  }
0x2: {  	[smem:$0x3F9F] =	sst lr;
	_ =	strace $0xD0000000  }
0x3: {  	_ = 	snop  }
0x4: {  	_ = 	snop  }
0x5: {  	_ = 	snop  }
0x6: {  	_ = 	snop  }
0x7: {  	_ = 	snop  }
__scs_overlays_trampoline_lowered:
0x8: {  	[smem:$0x3FAE] =	sst s0  }
0x9: {  	[smem:$0x3FAF] =	sst s1  }
0xa: {  	[smem:$0x3FB0] =	sst s2  }
0xb: {  	[smem:$0x3FB1] =	sst s3  }
0xc: {  	[smem:$0x3FB2] =	sst s4  }
0xd: {  	[smem:$0x3FB3] =	sst s5  }
0xe: {  	[smem:$0x3FB4] =	sst s6  }
0xf: {  	[smem:$0x3FB5] =	sst s7  }
0x10: {  	[smem:$0x3FB6] =	sst s8  }
0x11: {  	[smem:$0x3FB7] =	sst s9;
	s0 =	simm.s32 @!p0 $0x0  }
0x12: {  	s1 =	sld [smem:$0x3F9D];
	s0 =	simm.s32 @p0 $0x1  }
0x13: {  	[smem:$0x3FB8] =	sst s0;
	s0 =	simm.s32 @!p1 $0x0  }
0x14: {  	s2 =	sld [smem:$0x3F9C];
	s0 =	simm.s32 @p1 $0x1  }
0x15: {  	[smem:$0x3FB9] =	sst s0;
	s0 =	simm.s32 @!p2 $0x0  }
0x16: {  	s3 =	sld [smem:$0x3FDB];
	s0 =	simm.s32 @p2 $0x1  }
0x17: {  	s4 =	simm.s32 $0x1BF5;
	[smem:$0x3FBB] =	sst s0  }
0x18: {  	s0 =	sld [smem:$0x3F9E];
	_ =	swait.ge [sflag:s4], $0x0  }
0x19: {  	s7 =	sld [smem:$0x3F9F]  }
0x1a: {  	s8 =	sadd.s32 $0xFFFFE003, lr  }
0x1b: {  	s9 =	sadd.s32 $0xFFFFFEF7, lr;
	s5 =	simm.s32 $0xFFFFFFFF;
	p2 =	slt.u32 s8, $0xFFFFF086  }
0x1c: {  	p1 =	slt.u32 s9, $0xF7A;
	s5 =	simm.s32 @!p2 $0x0  }
0x1d: {  	s5 =	simm.s32 @p1 $0x1;
	p0 =	seq.s32 s7, s2  }
0x1e: {  	s7 =	smul.u32 @!p0 $0xF7A, s2;
	p2 =	seq.s32 @!p0 s5, $0x0  }
0x1f: {  	s9 =	smul.u32 $0xF7A, s1;
	s8 =	simm.s32 @!p0 $0x1BF5;
	p2 =	por !p2, p0  }
0x20: {  	[sflag:s8] =	ssyncset.s32 @!p0 $0xFFFFF086;
	s6 =	sadd.s32 @!p0 s3, s7;
	s7 =	simm.s32 @!p0 $0x108  }
0x21: {  	s3 =	sadd.s32 s3, s9;
	s6 =	sadd.s32 @!p0 $0x88, s6;
	s7 =	simm.s32 @p2 $0x1082  }
0x22: {  	[simem:s7], [sflag:s8] =	dma.local @!p0 [hbm:s6], $0xF7A  }
0x23: {  	s9 =	sor.u32 $0xD0000000, s2;
	s6 =	simm.s32 $0x108;
	_ =	swait.ge @!p0 [sflag:s8], $0x0  }
0x24: {  	s3 =	sadd.s32 $0x88, s3;
	s6 =	simm.s32 @!p1 $0x1082;
	[sflag:s4] =	ssyncset.s32 $0xFFFFF086  }
0x25: {  	[simem:s6], [sflag:s4] =	dma.local [hbm:s3], $0xF7A  }
0x26: {  	[smem:$0x3F9F] =	sst s1;
	(tag) =	ssettag s2;
	_ =	strace s9  }
0x27: {  	s1 =	sld [smem:$0x3FAF]  }
0x28: {  	s2 =	sld [smem:$0x3FB0]  }
0x29: {  	s4 =	sld [smem:$0x3FB2]  }
0x2a: {  	p0 =	seq.s32 s5, $0x0;
	s5 =	sld [smem:$0x3FB3]  }
0x2b: {  	s6 =	sld [smem:$0x3FB4]  }
0x2c: {  	s7 =	sld [smem:$0x3FB5]  }
0x2d: {  	s3 =	simm.s32 $0x108;
	s8 =	sld [smem:$0x3FB6]  }
0x2e: {  	s3 =	simm.s32 @!p0 $0x1082;
	s9 =	sld [smem:$0x3FB7]  }
0x2f: {  	lr =	sadd.s32 s0, s3;
	s0 =	sld [smem:$0x3FAE]  }
0x30: {  	s3 =	sld [smem:$0x3FB1]  }
0x31: {  	[smem:$0x3FBA] =	sst s10  }
0x32: {  	s10 =	sld [smem:$0x3FB8];
	_ =	sdelay $0x3  }
0x33: {  	p0 =	seq.s32 s10, $0x1;
	s10 =	sld [smem:$0x3FBA];
	_ =	sdelay $0x3  }
0x34: {  	[smem:$0x3FBA] =	sst s10  }
0x35: {  	s10 =	sld [smem:$0x3FB9];
	_ =	sdelay $0x3  }
0x36: {  	p1 =	seq.s32 s10, $0x1;
	s10 =	sld [smem:$0x3FBA];
	_ =	sdelay $0x3  }
0x37: {  	[smem:$0x3FBA] =	sst s10  }
0x38: {  	s10 =	sld [smem:$0x3FBB]  }
0x39: {  	_ = 	snop;
	(pc) =	sbr.ind lr, $3  }
0x3a: {  	_ = 	snop  }
0x3b: {  	_ = 	snop  }
0x3c: {  	p2 =	seq.s32 s10, $0x1;
	s10 =	sld [smem:$0x3FBA]  }
0x3d: {  	_ =	shalt  }
0x3e: {  	_ =	shalt  }
0x3f: {  	_ =	shalt  }
0x40: {  	_ =	shalt  }
0x41: {  	_ =	shalt  }
0x42: {  	_ =	shalt  }
0x43: {  	_ =	shalt  }
0x44: {  	_ =	shalt  }
0x45: {  	_ =	shalt  }
0x46: {  	_ =	shalt  }
0x47: {  	_ =	shalt  }
0x48: {  	_ =	shalt  }
0x49: {  	_ =	shalt  }
0x4a: {  	_ =	shalt  }
0x4b: {  	_ =	shalt  }
0x4c: {  	_ =	shalt  }
0x4d: {  	_ =	shalt  }
0x4e: {  	_ =	shalt  }
0x4f: {  	_ =	shalt  }
0x50: {  	_ =	shalt  }
0x51: {  	_ =	shalt  }
0x52: {  	_ =	shalt  }
0x53: {  	_ =	shalt  }
0x54: {  	_ =	shalt  }
0x55: {  	_ =	shalt  }
0x56: {  	_ =	shalt  }
0x57: {  	_ =	shalt  }
0x58: {  	_ =	shalt  }
0x59: {  	_ =	shalt  }
0x5a: {  	_ =	shalt  }
0x5b: {  	_ =	shalt  }
0x5c: {  	_ =	shalt  }
0x5d: {  	_ =	shalt  }
0x5e: {  	_ =	shalt  }
0x5f: {  	_ =	shalt  }
0x60: {  	_ =	shalt  }
0x61: {  	_ =	shalt  }
0x62: {  	_ =	shalt  }
0x63: {  	_ =	shalt  }
0x64: {  	_ =	shalt  }
0x65: {  	_ =	shalt  }
0x66: {  	_ =	shalt  }
0x67: {  	_ =	shalt  }
0x68: {  	_ =	shalt  }
0x69: {  	_ =	shalt  }
0x6a: {  	_ =	shalt  }
0x6b: {  	_ =	shalt  }
0x6c: {  	_ =	shalt  }
0x6d: {  	_ =	shalt  }
0x6e: {  	_ =	shalt  }
0x6f: {  	_ =	shalt  }
0x70: {  	_ =	shalt  }
0x71: {  	_ =	shalt  }
0x72: {  	_ =	shalt  }
0x73: {  	_ =	shalt  }
0x74: {  	_ =	shalt  }
0x75: {  	_ =	shalt  }
0x76: {  	_ =	shalt  }
0x77: {  	_ =	shalt  }
0x78: {  	_ =	shalt  }
0x79: {  	_ =	shalt  }
0x7a: {  	_ =	shalt  }
0x7b: {  	_ =	shalt  }
0x7c: {  	_ =	shalt  }
0x7d: {  	_ =	shalt  }
0x7e: {  	_ =	shalt  }
0x7f: {  	_ =	shalt  }
0x80: {  	_ =	shalt  }
0x81: {  	_ =	shalt  }
0x82: {  	_ =	shalt  }
0x83: {  	_ =	shalt  }
0x84: {  	_ =	shalt  }
0x85: {  	_ =	shalt  }
0x86: {  	_ =	shalt  }
0x87: {  	_ =	shalt  }
.Lfunc_end0:
.L_simem_size_0:
called_computation_lowered:
.L_overlay_start_0:
0x88: {  	s2 =	sld [smem:$0x3FD9]  }
0x89: {  	s3 =	sld [smem:$0x3FFE];
	_ =	sdelay $0x1  }
0x8a: {  	s1 =	srdreg.scid  }
0x8b: {  	s0 =	sand.u32 $0x1, s1  }
0x8c: {  	s17 =	sshll.u32 s0, $0xA;
	s2 =	sadd.s32 s3, s2  }
0x8d: {  	s2 =	sadd.s32 s2, s17  }
0x8e: {  	[smem:$0x3FC6] =	sst s2  }
0x8f: {  	_ = 	snop  }
0x90: {  	s2 =	sld [smem:$0x3FC9]  }
0x91: {  	s18 =	sld [smem:$0x3FC8];
	(tm) =	ssettm $0x1  }
0x92: {  	s4 =	sld [smem:$0x3FFB];
	_ =	sdelay $0x3  }
0x93: {  	_ =	strace s4  }
0x94: {  	s4 =	sld [smem:$0x3FFC];
	_ =	sdelay $0x3  }
0x95: {  	_ =	strace s4  }
0x96: {  	s4 =	sld [smem:$0x3FFD];
	_ =	sdelay $0x3  }
0x97: {  	_ =	strace s4  }
0x98: {  	_ =	strace $0x8FFFFFFF  }
0x99: {  	s19 =	sld [smem:$0x3FDB];
	_ =	sdelay $0x1  }
0x9a: {  	s5 =	simm.s32 $_scs_section_size  }
0x9b: {  	s6 =	simm.s32 $_size__tile_overlayer_lowered;
	s7 =	simm.s32 $_tile_overlayer_lowered  }
0x9c: {  	s22 =	simm.s32 $0x1BFF;
	s21 =	sshll.u32 s7, $0x1;
	s4 =	sadd.s32 s5, s19  }
0x9d: {  	s8 =	simm.s32 $0x0;
	s20 =	sshll.u32 s6, $0x1;
	s6 =	sadd.s32 s21, s4  }
0x9e: {  	[timem:s8], [sflag:s22] =	dma.local [hbm:s6], s20  }
0x9f: {  	_ =	swait.ge [sflag:s22], s20  }
0xa0: {  	s5 =	ssub.s32 $0x0, s20;
	[sflag:s22] =	ssyncset.done $0x0  }
0xa1: {  	[sflag:s22] =	ssyncadd.s32 s5;
	_ =	sdelay $0x1  }
0xa2: {  	s23 =	simm.s32 $0x1B8B  }
0xa3: {  	_ =	swait.ge [sflag:s23], $0x1  }
0xa4: {  	[sflag:s23] =	ssyncset.done $0x0  }
0xa5: {  	s25 =	simm.s32 $0x1B8E;
	s24 =	sld [smem:$0x3FFE];
	[sflag:s23] =	ssyncadd.s32 $0xFFFFFFFF  }
0xa6: {  	s26 =	simm.s32 $execute0_lowered;
	[smem:$0x3FD2] =	sst s25  }
0xa7: {  	s6 =	sshll.u32 s26, $0x1;
	_ =	strace $0x80000046;
	[dreg:$0x1] =	wrdreg $0xFFFFFFFF  }
0xa8: {  	s28 =	simm.s32 $_size_execute0_lowered;
	s4 =	sadd.s32 s4, s6;
	[dreg:$0x0] =	wrdreg $0x0  }
0xa9: {  	s6 =	sshll.u32 s28, $0x1;
	[dreg:$0x2] =	wrdreg s4  }
0xaa: {  	[dreg:$0x3] =	wrdreg s6  }
0xab: {  	[dreg:$0x4] =	wrdreg $0xC0  }
0xac: {  	_ =	task [dreg:s8], $0x5FFFF  }
0xad: {  	[dreg:$0x1] =	wrdreg $0xFFFFFFFF  }
0xae: {  	[dreg:$0x0] =	wrdreg $0x60  }
0xaf: {  	[dreg:$0x2] =	wrdreg s2  }
0xb0: {  	[dreg:$0x3] =	wrdreg s18  }
0xb1: {  	[dreg:$0x4] =	wrdreg s24  }
0xb2: {  	[dreg:$0x5] =	wrdreg $0x9  }
0xb3: {  	_ =	task.clear_ibuf [dreg:s8], $0x6FFFF;
	_ =	strace $0x90000046  }
0xb4: {  	s29 =	simm.s32 $0x9;
	_ =	strace $0x80000048  }
0xb5: {  	_ =	swait.ge [sflag:s29], $0x1  }
0xb6: {  	[sflag:s29] =	ssyncadd.s32 $0xFFFFFFFF  }
0xb7: {  	_ =	strace $0x90000048  }
0xb8: {  	_ =	sfence  }
0xb9: {  	s30 =	sld [smem:$0x0];
	_ =	sdelay $0x2  }
0xba: {  	s31 =	sshll.u32 s1, $0xD;
	s1 =	sshrl.u32 s1, $0x2  }
0xbb: {  	s3 =	sand.u32 $0x4000, s31;
	s1 =	sadd.s32 s1, s30  }
0xbc: {  	s0 =	sor.u32 s3, s0;
	s1 =	sshll.u32 s1, $0x11  }
0xbd: {  	s0 =	sor.u32 s1, s0  }
0xbe: {  	s0 =	sadd.s32 $0x8F2B, s0  }
0xbf: {  	[sflag:s0] =	ssyncadd.remote.s32 $0x1  }
0xc0: {  	_ =	sfence.sel $0xFFFF  }
0xc1: {  	[dreg:$0x0] =	wrdreg $0xFFFFFFFF;
	(pc) =	sbr.abs _section_cstart, $3  }
0xc2: {  	[dreg:$0x1] =	wrdreg $0xFFFFFFFF  }
0xc3: {  	_ =	task.clear_ibuf [dreg:s8], $0x2FFFF;
	_ =	strace $0x9FFFFFFF  }
0xc4: {  	(tm) =	ssettm $0x7FFFFFFF  }
0xc5: {  	_ =	shalt  }
tec
execute0_lowered:
.L_overlay_start_1:
0x0: {  	(tag) =	ssettag $0x1  }
0x1: {  	s6 =	rddreg [dreg:$0x0]  }
0x2: {  	s2 =	rddreg [dreg:$0x1]  }
0x3: {  	s1 =	srdreg.scid;
	s0 =	stileid.u32  }
0x4: {  	s4 =	rddreg [dreg:$0x2];
	s3 =	simm.s32 $0x0;
	s12 =	simm.s32 $0x6400  }
0x5: {  	s13 =	simm.s32 $0xA400;
	s14 =	simm.s32 $0x1;
	s15 =	simm.s32 $0xE400  }
0x6: {  	s16 =	simm.s32 $0x100;
	s17 =	simm.s32 $0x2;
	s18 =	simm.s32 $0x12400  }
0x7: {  	s19 =	simm.s32 $0x180;
	s5 =	sand.u32 $0x1, s1;
	s7 =	sshll.u32 s0, $0x1  }
0x8: {  	s20 =	simm.s32 $0x3;
	s21 =	simm.s32 $0x4;
	s8 =	sor.u32 s5, s7  }
0x9: {  	s22 =	simm.s32 $0x0;
	s1 =	rddreg [dreg:$0x3];
	s7 =	smul.u32 $0x64000, s8  }
.Ltmp0:
0xa: {  	[smem:$0x7FF] =	sst s3;
	s9 =	ssub.s32 $0x2, s5;
	(pc) =	sbr.rel .LBB2_1-.Ltmp0, $4  }
0xb: {  	s4 =	sadd.s32 $0x400, s4;
	s10 =	smul.u32 $0xC80, s8;
	s11 =	sshrl.u32 s9, $0x1  }
0xc: {  	_ =	strace $0x80000047;
	s8 =	smul.u32 $0x320000, s8;
	s9 =	ssub.s32 s9, s11  }
0xd: {  	s11 =	simm.s32 $0x80;
	s5 =	sadd.s32 s4, s7;
	s6 =	sadd.s32 s6, s10  }
0xe: {  	s9 =	smax.u32 s9, $0x1;
	s10 =	simm.s32 $0x5;
	s7 =	sadd.s32 $0x800, s5  }
.LBB2_12:
0xf: {  	s22 =	sadd.s32 $0x1, s22  }
0x10: {  	_ =	swait.ge [sflag:s20], $0x4000;
	p0 =	sne.s32 s22, s9  }
.Ltmp1:
0x11: {  	[sflag:s20] =	ssyncset.done $0x0;
	(pc) =	sbr.rel @!p0 .LBB2_13-.Ltmp1, $4  }
0x12: {  	[sflag:s20] =	ssyncadd.s32 $0xFFFFC000  }
0x13: {  	_ =	swait.ge [sflag:s21], $0x4000  }
0x14: {  	[sflag:s21] =	ssyncset.done $0x0  }
0x15: {  	[sflag:s21] =	ssyncadd.s32 $0xFFFFC000  }
.LBB2_1:
0x16: {  	[tilespmem:s3], [sflag:$0x5] =	stream.linear.gather [hbm4b:s6+s3], $0x6400, $0x38;
	[tilespmem:$0x16400] =	vst v63  }
0x17: {  	_ =	swait.ge [sflag:s10], $0x6400  }
0x18: {  	[sflag:s10] =	ssyncset.done $0x0  }
0x19: {  	[sflag:s10] =	ssyncadd.s32 $0xFFFF9C00  }
0x1a: {  	[tilespmem:s12], [sflag:$0x1] =	stream.indirect.gather [hbm4b:s2+s11], $0x80, s3, s11, $0xb8;
	[tilespmem:$0x16400] =	vst v63  }
0x1b: {  	_ = 	snop  }
0x1c: {  	[tilespmem:s13], [sflag:$0x2] =	stream.indirect.gather [hbm4b:s2+s11], $0x80, s11, s11, $0xb8;
	[tilespmem:$0x16400] =	vst v63  }
0x1d: {  	_ =	swait.ge [sflag:s14], $0x4000  }
0x1e: {  	[sflag:s14] =	ssyncset.done $0x0  }
0x1f: {  	s23 =	simm.s32 $0x0;
	[sflag:s14] =	ssyncadd.s32 $0xFFFFC000  }
0x20: {  	v1 =	vld [tilespmem:s23+$0x6430]  }
0x21: {  	v2 =	vld [tilespmem:s23+$0x6400]  }
0x22: {  	v3 =	vld [tilespmem:s23+$0x6410]  }
0x23: {  	v0 =	vld [tilespmem:s23+$0x6420]  }
0x24: {  	s24 =	simm.s32 $0x200  }
.LBB2_2:
0x25: {  	s25 =	sshra.s32 s24, $0x2;
	p0 =	sne.s32 s24, $0xFE00;
	s24 =	sadd.s32 $0x200, s24;
	v4 =	vmul.f32 $8.000000000e+00, v1  }
.Ltmp2:
0x26: {  	v1 =	vld [tilespmem:s25+$0x6430];
	v5 =	vmul.f32 $8.000000000e+00, v2;
	(pc) =	sbr.rel @p0 .LBB2_2-.Ltmp2, $4  }
0x27: {  	v2 =	vld [tilespmem:s25+$0x6400];
	v6 =	vmul.f32 $8.000000000e+00, v3;
	[tilespmem:s23+$0xE430] =	vst v4  }
0x28: {  	v3 =	vld [tilespmem:s25+$0x6410];
	[tilespmem:s23+$0xE400] =	vst v5;
	v4 =	vmul.f32 $8.000000000e+00, v0  }
0x29: {  	v0 =	vld [tilespmem:s25+$0x6420];
	[tilespmem:s23+$0xE410] =	vst v6  }
0x2a: {  	[tilespmem:s23+$0xE420] =	vst v4;
	s23 =	smov.u32 s25  }
0x2b: {  	v1 =	vmul.f32 $8.000000000e+00, v1  }
0x2c: {  	v2 =	vmul.f32 $8.000000000e+00, v2  }
0x2d: {  	v3 =	vmul.f32 $8.000000000e+00, v3;
	[tilespmem:s23+$0xE430] =	vst v1  }
0x2e: {  	[tilespmem:s23+$0xE400] =	vst v2;
	v0 =	vmul.f32 $8.000000000e+00, v0  }
0x2f: {  	[tilespmem:s23+$0xE410] =	vst v3  }
0x30: {  	s31 =	simm.s32 $0x0;
	[tilespmem:s23+$0xE420] =	vst v0  }
0x31: {  	[hbm4b:s5+s31] =	stream.linear.scatter [tilespmem:s15], [sflag:$0x3], $0x4000, $0x38;
	[tilespmem:$0x16400] =	vst v63  }
0x32: {  	_ = 	snop  }
0x33: {  	[tilespmem:s12], [sflag:$0x1] =	stream.indirect.gather [hbm4b:s2+s11], $0x80, s16, s11, $0xb8;
	[tilespmem:$0x16400] =	vst v63  }
0x34: {  	_ =	swait.ge [sflag:s17], $0x4000  }
0x35: {  	[sflag:s17] =	ssyncset.done $0x0  }
0x36: {  	s23 =	simm.s32 $0x0;
	[sflag:s17] =	ssyncadd.s32 $0xFFFFC000  }
0x37: {  	v1 =	vld [tilespmem:s23+$0xA430]  }
0x38: {  	v2 =	vld [tilespmem:s23+$0xA400]  }
0x39: {  	v3 =	vld [tilespmem:s23+$0xA410]  }
0x3a: {  	v0 =	vld [tilespmem:s23+$0xA420]  }
0x3b: {  	s24 =	simm.s32 $0x200  }
.LBB2_4:
0x3c: {  	s25 =	sshra.s32 s24, $0x2;
	p0 =	sne.s32 s24, $0xFE00;
	s24 =	sadd.s32 $0x200, s24;
	v4 =	vmul.f32 $8.000000000e+00, v1  }
.Ltmp3:
0x3d: {  	v1 =	vld [tilespmem:s25+$0xA430];
	v5 =	vmul.f32 $8.000000000e+00, v2;
	(pc) =	sbr.rel @p0 .LBB2_4-.Ltmp3, $4  }
0x3e: {  	v2 =	vld [tilespmem:s25+$0xA400];
	v6 =	vmul.f32 $8.000000000e+00, v3;
	[tilespmem:s23+$0x12430] =	vst v4  }
0x3f: {  	v3 =	vld [tilespmem:s25+$0xA410];
	[tilespmem:s23+$0x12400] =	vst v5;
	v4 =	vmul.f32 $8.000000000e+00, v0  }
0x40: {  	v0 =	vld [tilespmem:s25+$0xA420];
	[tilespmem:s23+$0x12410] =	vst v6  }
0x41: {  	[tilespmem:s23+$0x12420] =	vst v4;
	s23 =	smov.u32 s25  }
0x42: {  	v1 =	vmul.f32 $8.000000000e+00, v1  }
0x43: {  	v2 =	vmul.f32 $8.000000000e+00, v2  }
0x44: {  	v3 =	vmul.f32 $8.000000000e+00, v3;
	[tilespmem:s23+$0x12430] =	vst v1  }
0x45: {  	[tilespmem:s23+$0x12400] =	vst v2;
	v0 =	vmul.f32 $8.000000000e+00, v0  }
0x46: {  	[tilespmem:s23+$0x12410] =	vst v3  }
0x47: {  	[tilespmem:s23+$0x12420] =	vst v0  }
0x48: {  	[hbm4b:s7+s3] =	stream.linear.scatter [tilespmem:s18], [sflag:$0x4], $0x4000, $0x38;
	[tilespmem:$0x16400] =	vst v63  }
0x49: {  	s23 =	simm.s32 $0x1  }
0x4a: {  	[tilespmem:s13], [sflag:$0x2] =	stream.indirect.gather [hbm4b:s2+s11], $0x80, s19, s11, $0xb8;
	[tilespmem:$0x16400] =	vst v63  }
.LBB2_6:
0x4b: {  	_ =	swait.ge [sflag:s14], $0x4000  }
0x4c: {  	[sflag:s14] =	ssyncset.done $0x0  }
0x4d: {  	[sflag:s14] =	ssyncadd.s32 $0xFFFFC000  }
0x4e: {  	_ =	swait.ge [sflag:s20], $0x4000  }
0x4f: {  	[sflag:s20] =	ssyncset.done $0x0  }
0x50: {  	s24 =	simm.s32 $0x0;
	[sflag:s20] =	ssyncadd.s32 $0xFFFFC000  }
0x51: {  	v1 =	vld [tilespmem:s24+$0x6430]  }
0x52: {  	v2 =	vld [tilespmem:s24+$0x6400]  }
0x53: {  	v3 =	vld [tilespmem:s24+$0x6410]  }
0x54: {  	v0 =	vld [tilespmem:s24+$0x6420]  }
0x55: {  	s25 =	simm.s32 $0x200  }
.LBB2_7:
0x56: {  	s26 =	sshra.s32 s25, $0x2;
	p0 =	sne.s32 s25, $0xFE00;
	s25 =	sadd.s32 $0x200, s25;
	v4 =	vmul.f32 $8.000000000e+00, v1  }
.Ltmp4:
0x57: {  	v1 =	vld [tilespmem:s26+$0x6430];
	v5 =	vmul.f32 $8.000000000e+00, v2;
	(pc) =	sbr.rel @p0 .LBB2_7-.Ltmp4, $4  }
0x58: {  	v2 =	vld [tilespmem:s26+$0x6400];
	v6 =	vmul.f32 $8.000000000e+00, v3;
	[tilespmem:s24+$0xE430] =	vst v4  }
0x59: {  	v3 =	vld [tilespmem:s26+$0x6410];
	[tilespmem:s24+$0xE400] =	vst v5;
	v4 =	vmul.f32 $8.000000000e+00, v0  }
0x5a: {  	v0 =	vld [tilespmem:s26+$0x6420];
	[tilespmem:s24+$0xE410] =	vst v6  }
0x5b: {  	[tilespmem:s24+$0xE420] =	vst v4;
	s24 =	smov.u32 s26  }
0x5c: {  	v1 =	vmul.f32 $8.000000000e+00, v1  }
0x5d: {  	v2 =	vmul.f32 $8.000000000e+00, v2  }
0x5e: {  	s25 =	sshll.u32 s23, $0xF;
	v3 =	vmul.f32 $8.000000000e+00, v3;
	[tilespmem:s24+$0xE430] =	vst v1  }
0x5f: {  	s25 =	sadd.s32 s8, s25;
	[tilespmem:s24+$0xE400] =	vst v2;
	v0 =	vmul.f32 $8.000000000e+00, v0  }
0x60: {  	s25 =	sshrl.u32 s25, $0x3;
	[tilespmem:s24+$0xE410] =	vst v3  }
0x61: {  	p0 =	seq.s32 s23, $0x63;
	s31 =	sadd.s32 s4, s25;
	[tilespmem:s24+$0xE420] =	vst v0;
	s24 =	sshll.u32 s23, $0xA  }
0x62: {  	[hbm4b:s31+s3] =	stream.linear.scatter [tilespmem:s15], [sflag:$0x3], $0x4000, $0x38;
	[tilespmem:$0x16400] =	vst v63  }
0x63: {  	s25 =	sshrl.u32 @!p0 s24, $0x2  }
0x64: {  	s26 =	simm.s32 @!p0 $0x80;
	s28 =	simm.s32 @!p0 $0x6400;
	s25 =	sadd.s32 @!p0 $0x100, s25  }
0x65: {  	[tilespmem:s28], [sflag:$0x1] =	stream.indirect.gather @!p0 [hbm4b:s2+s26], $0x80, s25, s26, $0xb8;
	[tilespmem:$0x16400] =	vst v63  }
0x66: {  	_ =	swait.ge [sflag:s17], $0x4000  }
0x67: {  	[sflag:s17] =	ssyncset.done $0x0  }
0x68: {  	[sflag:s17] =	ssyncadd.s32 $0xFFFFC000  }
0x69: {  	_ =	swait.ge [sflag:s21], $0x4000  }
0x6a: {  	[sflag:s21] =	ssyncset.done $0x0  }
0x6b: {  	s25 =	simm.s32 $0x0;
	[sflag:s21] =	ssyncadd.s32 $0xFFFFC000  }
0x6c: {  	v1 =	vld [tilespmem:s25+$0xA430]  }
0x6d: {  	v2 =	vld [tilespmem:s25+$0xA400]  }
0x6e: {  	v3 =	vld [tilespmem:s25+$0xA410]  }
0x6f: {  	v0 =	vld [tilespmem:s25+$0xA420]  }
0x70: {  	s26 =	simm.s32 $0x200  }
.LBB2_9:
0x71: {  	s28 =	sshra.s32 s26, $0x2;
	p1 =	sne.s32 s26, $0xFE00;
	s26 =	sadd.s32 $0x200, s26;
	v4 =	vmul.f32 $8.000000000e+00, v1  }
.Ltmp5:
0x72: {  	v1 =	vld [tilespmem:s28+$0xA430];
	v5 =	vmul.f32 $8.000000000e+00, v2;
	(pc) =	sbr.rel @p1 .LBB2_9-.Ltmp5, $4  }
0x73: {  	v2 =	vld [tilespmem:s28+$0xA400];
	v6 =	vmul.f32 $8.000000000e+00, v3;
	[tilespmem:s25+$0x12430] =	vst v4  }
0x74: {  	v3 =	vld [tilespmem:s28+$0xA410];
	[tilespmem:s25+$0x12400] =	vst v5;
	v4 =	vmul.f32 $8.000000000e+00, v0  }
0x75: {  	v0 =	vld [tilespmem:s28+$0xA420];
	[tilespmem:s25+$0x12410] =	vst v6  }
0x76: {  	[tilespmem:s25+$0x12420] =	vst v4;
	s25 =	smov.u32 s28  }
0x77: {  	v1 =	vmul.f32 $8.000000000e+00, v1  }
0x78: {  	v2 =	vmul.f32 $8.000000000e+00, v2  }
.Ltmp6:
0x79: {  	v3 =	vmul.f32 $8.000000000e+00, v3;
	[tilespmem:s25+$0x12430] =	vst v1;
	(pc) =	sbr.rel @p0 .LBB2_12-.Ltmp6, $4  }
0x7a: {  	[tilespmem:s25+$0x12400] =	vst v2;
	v0 =	vmul.f32 $8.000000000e+00, v0  }
0x7b: {  	s26 =	sshll.u32 s23, $0xC;
	[tilespmem:s25+$0x12410] =	vst v3  }
0x7c: {  	s31 =	sadd.s32 s7, s26;
	[tilespmem:s25+$0x12420] =	vst v0  }
0x7d: {  	[hbm4b:s31+s3] =	stream.linear.scatter [tilespmem:s18], [sflag:$0x4], $0x4000, $0x38;
	[tilespmem:$0x16400] =	vst v63  }
.Ltmp7:
0x7e: {  	(pc) =	sbr.rel .LBB2_6-.Ltmp7, $4  }
0x7f: {  	_ = 	snop  }
0x80: {  	s24 =	sshrl.u32 s24, $0x2  }
0x81: {  	s23 =	sadd.s32 $0x1, s23;
	s24 =	sadd.s32 $0x180, s24  }
0x82: {  	[tilespmem:s13], [sflag:$0x2] =	stream.indirect.gather [hbm4b:s2+s11], $0x80, s24, s11, $0xb8;
	[tilespmem:$0x16400] =	vst v63  }
.LBB2_13:
0x83: {  	_ =	sfence.sel $0x180000  }
0x84: {  	[bflag:$0x0] =	sbarrier.arrive $0xFFFF  }
0x85: {  	p0 =	sne.s32 s0, $0x0;
	_ =	strace $0x90000047  }
0x86: {  	s0 =	sadd.s32 @!p0 $0x100000, s1;
	[bflag:$0x2] =	sbarrier.arrive $0xFFFF  }
0x87: {  	[sflag:s0] =	ssyncadd.tile.s32 @!p0 $0x1;
	_ =	shalt  }
.Lfunc_end2:
_tile_overlayer_lowered:
.L_overlay_start_2:
0x88: {  	(tag) =	ssettag $0x2  }
0x89: {  	s0 =	rddreg [dreg:$0x0];
	s2 =	stileid.u32  }
0x8a: {  	s1 =	rddreg [dreg:$0x1];
	p0 =	sne.s32 s2, $0x0  }
0x8b: {  	s3 =	rddreg [dreg:$0x2];
	[bflag:$0x3] =	sbarrier.arrive $0xFFFF;
	s2 =	simm.s32 @!p0 $0x1C05  }
0x8c: {  	[timem:s3], [sflag:s2] =	dma.local @!p0 [hbm:s0], s1  }
0x8d: {  	s0 =	simm.s32 @!p0 $0x5  }
0x8e: {  	_ =	swait.ge @!p0 [sflag:s0], s1  }
0x8f: {  	s1 =	ssub.s32 @!p0 $0x0, s1;
	[sflag:s0] =	ssyncset.done @!p0 $0x0  }
0x90: {  	[sflag:s0] =	ssyncadd.s32 @!p0 s1  }
0x91: {  	[bflag:$0x3] =	sbarrier.arrive $0xFFFF  }
0x92: {  	_ =	shalt  }

</sc_bundles>
